<compile_context>
chip_gen: v7x
topology: tpu7x:2x2x1
jax: 0.10.2.dev20260603
libtpu: 0.0.44.dev20260713+nightly
codegen_flags: <defaults>
</compile_context>

<pallas_src>
import functools

import jax
import jax.numpy as jnp
from jax import lax
from jax.experimental import pallas as pl
from jax.experimental.pallas import tpu as pltpu
from jax.experimental.pallas import tpu_sc as plsc

N_ROWS = 4096
N_COLS = 200
B = N_ROWS * N_COLS
D = 128
V = 45
NC = 2
NS = 16
NW = NC * NS
BPW = B // NW
C = 128
NCHUNK = BPW // C
NB = 5
A = 3
NJ = NCHUNK // NB


def _embed_body(table_hbm, idx_hbm, out_hbm, table_s, idx_v, bufs, sg, ss):
    wid = lax.axis_index("s") * NC + lax.axis_index("c")
    base = wid * BPW

    @pl.when(lax.axis_index("s") == 0)
    def _():
        pltpu.sync_copy(table_hbm, table_s)

    pltpu.sync_copy(idx_hbm.at[wid], idx_v)
    plsc.subcore_barrier()

    def gather(i, k):
        pltpu.async_copy(table_s.at[idx_v.at[i]], bufs[k], sg[k])

    def store(i, k):
        pltpu.async_copy(bufs[k], out_hbm.at[pl.ds(base + i * C, C)], ss[k])

    def wait_gather(i, k):
        pltpu.make_async_copy(table_s.at[idx_v.at[i]], bufs[k], sg[k]).wait()

    def wait_store(i, k):
        pltpu.make_async_copy(
            bufs[k], out_hbm.at[pl.ds(base + i * C, C)], ss[k]).wait()

    for i in range(A):
        gather(i, i)

    def body(j, carry):
        for k in range(NB):
            i = NB * j + k
            wait_gather(i, k)
            store(i, k)
            kA = (k + A) % NB
            if k < NB - A:
                @pl.when(j > 0)
                def _():
                    wait_store(i + A - NB, kA)

                gather(i + A, kA)
            else:
                @pl.when(j < NJ - 1)
                def _():
                    wait_store(i + A - NB, kA)
                    gather(i + A, kA)
        return carry

    lax.fori_loop(0, NJ, body, 0)
    for k in range(NB):
        wait_store(NCHUNK - NB + k, k)


def kernel(inputs, table):
    idx = inputs.reshape(NW, NCHUNK, C).astype(jnp.int32)
    mesh = plsc.VectorSubcoreMesh(core_axis_name="c", subcore_axis_name="s")
    out = pl.kernel(
        _embed_body,
        mesh=mesh,
        out_type=jax.ShapeDtypeStruct((B, D), jnp.float32),
        compiler_params=pltpu.CompilerParams(needs_layout_passes=False),
        scratch_types=[
            pltpu.VMEM_SHARED((V, D), jnp.float32),
            pltpu.VMEM((NCHUNK, C), jnp.int32),
            [pltpu.VMEM((C, D), jnp.float32) for _ in range(NB)],
            [pltpu.SemaphoreType.DMA for _ in range(NB)],
            [pltpu.SemaphoreType.DMA for _ in range(NB)],
        ],
    )(table, idx)
    return out.reshape(N_ROWS, N_COLS, D)

# --- scband reference (transcript-rebuilt; emitter-appended) ---
"""Pipeline reference for scband-base-quality-embedding-layer-78847009620241 (READ-ONLY COPY).

The authoritative reference and input builder live on the scoring server;
editing this copy changes nothing except your own understanding.
"""

import jax, jax.numpy as jnp
import numpy as np

NUM_EMBEDDINGS = 45
EMBED_DIM = 128
PADDING_IDX = NUM_EMBEDDINGS - 1  # torch padding_idx=-1 wraps to 44


def setup_inputs(seed: int = 0) -> dict:
    key = jax.random.key(seed)
    k1, k2 = jax.random.split(key)
    inputs = jax.random.randint(k1, (4096, 200), 0, NUM_EMBEDDINGS, dtype=jnp.int64) if jax.config.jax_enable_x64 else jax.random.randint(k1, (4096, 200), 0, NUM_EMBEDDINGS, dtype=jnp.int32)
    table = jax.random.normal(k2, (NUM_EMBEDDINGS, EMBED_DIM), dtype=jnp.float32)
    # torch zero-initializes the padding row
    table = table.at[PADDING_IDX].set(0.0)
    return {"inputs": inputs, "table": table}


def reference(inputs, table):
    # nn.Embedding forward: plain row gather
    embeddings = jnp.take(table, inputs, axis=0)
    return embeddings

if __name__ == "__main__":
    import jax
    _d = setup_inputs()
    print(jax.jit(kernel)(*tuple(_d.values())))

</pallas_src>

<mosaic_0001>
#map = affine_map<(d0, d1) -> (0, 0)>
#map1 = affine_map<(d0, d1) -> (0, 0, 0)>
module attributes {stable_mosaic.version = 14 : i64} {
  func.func @_embed_body(%arg0: i32, %arg1: i32, %arg2: memref<45x128xf32, #tpu.memory_space<hbm>>, %arg3: memref<32x200x128xi32, #tpu.memory_space<hbm>>, %arg4: memref<819200x128xf32, #tpu.memory_space<hbm>>, %arg5: memref<45x128xf32, #tpu.memory_space<vmem_shared>>, %arg6: memref<200x128xi32, #tpu.memory_space<vmem>>, %arg7: memref<128x128xf32, #tpu.memory_space<vmem>>, %arg8: memref<128x128xf32, #tpu.memory_space<vmem>>, %arg9: memref<128x128xf32, #tpu.memory_space<vmem>>, %arg10: memref<128x128xf32, #tpu.memory_space<vmem>>, %arg11: memref<128x128xf32, #tpu.memory_space<vmem>>, %arg12: memref<!tpu.dma_semaphore, #tpu.memory_space<semaphore_mem>>, %arg13: memref<!tpu.dma_semaphore, #tpu.memory_space<semaphore_mem>>, %arg14: memref<!tpu.dma_semaphore, #tpu.memory_space<semaphore_mem>>, %arg15: memref<!tpu.dma_semaphore, #tpu.memory_space<semaphore_mem>>, %arg16: memref<!tpu.dma_semaphore, #tpu.memory_space<semaphore_mem>>, %arg17: memref<!tpu.dma_semaphore, #tpu.memory_space<semaphore_mem>>, %arg18: memref<!tpu.dma_semaphore, #tpu.memory_space<semaphore_mem>>, %arg19: memref<!tpu.dma_semaphore, #tpu.memory_space<semaphore_mem>>, %arg20: memref<!tpu.dma_semaphore, #tpu.memory_space<semaphore_mem>>, %arg21: memref<!tpu.dma_semaphore, #tpu.memory_space<semaphore_mem>>) attributes {dimension_semantics = [#tpu.dimension_semantics<core_parallel>, #tpu.dimension_semantics<subcore_parallel>], iteration_bounds = array<i64: 2, 16>, scalar_prefetch = 0 : i64, scratch_operands = 17 : i64, tpu.core_type = #tpu.core_type<sc_vector_subcore>, window_params = [{transform_indices = #map}, {transform_indices = #map1}, {transform_indices = #map}]} {
    %mul3A = arith.constant 2 : i32
    %mul3A_0 = arith.muli %arg1, %mul3A : i32
    %add3A = arith.addi %mul3A_0, %arg0 : i32
    %mul3A_1 = arith.constant 25600 : i32
    %mul3A_2 = arith.muli %add3A, %mul3A_1 : i32
    %eq3A = arith.constant 0 : i32
    %eq3A_3 = arith.cmpi eq, %arg1, %eq3A : i32
    %convert_element_type3A = arith.extui %eq3A_3 : i1 to i32
    %cond3A = arith.constant 0 : i32
    %cond3A_4 = arith.cmpi ne, %convert_element_type3A, %cond3A : i32
    scf.if %cond3A_4 {
      "tpu.region"() ({
        %run_scoped3A = tpu.sem_alloc : memref<!tpu.dma_semaphore, #tpu.memory_space<semaphore_mem>>
        tpu.enqueue_dma source(%arg2 : memref<45x128xf32, #tpu.memory_space<hbm>>) target(%arg5 : memref<45x128xf32, #tpu.memory_space<vmem_shared>>) target_semaphore(%run_scoped3A : memref<!tpu.dma_semaphore, #tpu.memory_space<semaphore_mem>>)
        tpu.wait_dma2 semaphore(%run_scoped3A : memref<!tpu.dma_semaphore, #tpu.memory_space<semaphore_mem>>) src(%arg2 : memref<45x128xf32, #tpu.memory_space<hbm>>) dst(%arg5 : memref<45x128xf32, #tpu.memory_space<vmem_shared>>)
        tpu.yield
      }) : () -> ()
    } else {
    }
    "tpu.region"() ({
      %run_scoped3A = tpu.sem_alloc : memref<!tpu.dma_semaphore, #tpu.memory_space<semaphore_mem>>
      %dma_start3A_59 = arith.constant 0 : i32
      %dma_start3A_60 = arith.constant 0 : i32
      %dma_start3A_61 = tpu.memref_slice %arg3[%add3A, %dma_start3A_59, %dma_start3A_60] : memref<32x200x128xi32, #tpu.memory_space<hbm>> -> memref<1x200x128xi32, #tpu.memory_space<hbm>>
      %dma_start3A_62 = tpu.memref_squeeze %dma_start3A_61 : memref<1x200x128xi32, #tpu.memory_space<hbm>> -> memref<200x128xi32, #tpu.memory_space<hbm>>
      %dma_start3A_63 = arith.constant 0 : i32
      %dma_start3A_64 = arith.constant 0 : i32
      %dma_start3A_65 = tpu.memref_slice %arg3[%add3A, %dma_start3A_63, %dma_start3A_64] : memref<32x200x128xi32, #tpu.memory_space<hbm>> -> memref<1x200x128xi32, #tpu.memory_space<hbm>>
      %dma_start3A_66 = tpu.memref_squeeze %dma_start3A_65 : memref<1x200x128xi32, #tpu.memory_space<hbm>> -> memref<200x128xi32, #tpu.memory_space<hbm>>
      tpu.enqueue_dma source(%dma_start3A_66 : memref<200x128xi32, #tpu.memory_space<hbm>>) target(%arg6 : memref<200x128xi32, #tpu.memory_space<vmem>>) target_semaphore(%run_scoped3A : memref<!tpu.dma_semaphore, #tpu.memory_space<semaphore_mem>>)
      %dma_wait3A_67 = arith.constant 0 : i32
      %dma_wait3A_68 = arith.constant 0 : i32
      %dma_wait3A_69 = tpu.memref_slice %arg3[%add3A, %dma_wait3A_67, %dma_wait3A_68] : memref<32x200x128xi32, #tpu.memory_space<hbm>> -> memref<1x200x128xi32, #tpu.memory_space<hbm>>
      %dma_wait3A_70 = tpu.memref_squeeze %dma_wait3A_69 : memref<1x200x128xi32, #tpu.memory_space<hbm>> -> memref<200x128xi32, #tpu.memory_space<hbm>>
      %dma_wait3A_71 = arith.constant 0 : i32
      %dma_wait3A_72 = arith.constant 0 : i32
      %dma_wait3A_73 = tpu.memref_slice %arg3[%add3A, %dma_wait3A_71, %dma_wait3A_72] : memref<32x200x128xi32, #tpu.memory_space<hbm>> -> memref<1x200x128xi32, #tpu.memory_space<hbm>>
      %dma_wait3A_74 = tpu.memref_squeeze %dma_wait3A_73 : memref<1x200x128xi32, #tpu.memory_space<hbm>> -> memref<200x128xi32, #tpu.memory_space<hbm>>
      tpu.wait_dma2 semaphore(%run_scoped3A : memref<!tpu.dma_semaphore, #tpu.memory_space<semaphore_mem>>) src(%dma_wait3A_74 : memref<200x128xi32, #tpu.memory_space<hbm>>) dst(%arg6 : memref<200x128xi32, #tpu.memory_space<vmem>>)
      tpu.yield
    }) : () -> ()
    %barrier3A = arith.constant 0 : index
    tpu.barrier barrier_id(%barrier3A)
    %dma_start3A = arith.constant 0 : i32
    %dma_start3A_5 = arith.constant 0 : i32
    %dma_start3A_6 = tpu.memref_slice %arg6[%dma_start3A, %dma_start3A_5] : memref<200x128xi32, #tpu.memory_space<vmem>> -> memref<1x128xi32, #tpu.memory_space<vmem>>
    %dma_start3A_7 = tpu.memref_squeeze %dma_start3A_6 : memref<1x128xi32, #tpu.memory_space<vmem>> -> memref<128xi32, #tpu.memory_space<vmem>>
    %dma_start3A_8 = arith.constant 0 : i32
    %dma_start3A_9 = arith.constant 0 : i32
    %dma_start3A_10 = tpu.memref_slice %arg5[%dma_start3A_8, %dma_start3A_9] : memref<45x128xf32, #tpu.memory_space<vmem_shared>> -> memref<45x128xf32, #tpu.memory_space<vmem_shared>>
    tpu.enqueue_indirect_dma source(%dma_start3A_10 : memref<45x128xf32, #tpu.memory_space<vmem_shared>>) target(%arg7 : memref<128x128xf32, #tpu.memory_space<vmem>>) offsets(%dma_start3A_7 : memref<128xi32, #tpu.memory_space<vmem>>) semaphore(%arg12 : memref<!tpu.dma_semaphore, #tpu.memory_space<semaphore_mem>>)
    %dma_start3A_11 = arith.constant 1 : i32
    %dma_start3A_12 = arith.constant 0 : i32
    %dma_start3A_13 = tpu.memref_slice %arg6[%dma_start3A_11, %dma_start3A_12] : memref<200x128xi32, #tpu.memory_space<vmem>> -> memref<1x128xi32, #tpu.memory_space<vmem>>
    %dma_start3A_14 = tpu.memref_squeeze %dma_start3A_13 : memref<1x128xi32, #tpu.memory_space<vmem>> -> memref<128xi32, #tpu.memory_space<vmem>>
    %dma_start3A_15 = arith.constant 0 : i32
    %dma_start3A_16 = arith.constant 0 : i32
    %dma_start3A_17 = tpu.memref_slice %arg5[%dma_start3A_15, %dma_start3A_16] : memref<45x128xf32, #tpu.memory_space<vmem_shared>> -> memref<45x128xf32, #tpu.memory_space<vmem_shared>>
    tpu.enqueue_indirect_dma source(%dma_start3A_17 : memref<45x128xf32, #tpu.memory_space<vmem_shared>>) target(%arg8 : memref<128x128xf32, #tpu.memory_space<vmem>>) offsets(%dma_start3A_14 : memref<128xi32, #tpu.memory_space<vmem>>) semaphore(%arg13 : memref<!tpu.dma_semaphore, #tpu.memory_space<semaphore_mem>>)
    %dma_start3A_18 = arith.constant 2 : i32
    %dma_start3A_19 = arith.constant 0 : i32
    %dma_start3A_20 = tpu.memref_slice %arg6[%dma_start3A_18, %dma_start3A_19] : memref<200x128xi32, #tpu.memory_space<vmem>> -> memref<1x128xi32, #tpu.memory_space<vmem>>
    %dma_start3A_21 = tpu.memref_squeeze %dma_start3A_20 : memref<1x128xi32, #tpu.memory_space<vmem>> -> memref<128xi32, #tpu.memory_space<vmem>>
    %dma_start3A_22 = arith.constant 0 : i32
    %dma_start3A_23 = arith.constant 0 : i32
    %dma_start3A_24 = tpu.memref_slice %arg5[%dma_start3A_22, %dma_start3A_23] : memref<45x128xf32, #tpu.memory_space<vmem_shared>> -> memref<45x128xf32, #tpu.memory_space<vmem_shared>>
    tpu.enqueue_indirect_dma source(%dma_start3A_24 : memref<45x128xf32, #tpu.memory_space<vmem_shared>>) target(%arg9 : memref<128x128xf32, #tpu.memory_space<vmem>>) offsets(%dma_start3A_21 : memref<128xi32, #tpu.memory_space<vmem>>) semaphore(%arg14 : memref<!tpu.dma_semaphore, #tpu.memory_space<semaphore_mem>>)
    %scan3A = arith.constant 0 : i32
    %scan3A_25 = arith.constant 0 : i32
    %scan3A_26 = arith.constant 40 : i32
    %scan3A_27 = arith.addi %scan3A_25, %scan3A_26 : i32
    %scan3A_28 = arith.constant 1 : i32
    scf.for %scan3A_59 = %scan3A_25 to %scan3A_27 step %scan3A_28  : i32 {
      %mul3A_60 = arith.constant 5 : i32
      %mul3A_61 = arith.muli %mul3A_60, %scan3A_59 : i32
      %add3A_62 = arith.constant 0 : i32
      %add3A_63 = arith.addi %mul3A_61, %add3A_62 : i32
      %dma_wait3A_64 = arith.constant 0 : i32
      %dma_wait3A_65 = tpu.memref_slice %arg6[%add3A_63, %dma_wait3A_64] : memref<200x128xi32, #tpu.memory_space<vmem>> -> memref<1x128xi32, #tpu.memory_space<vmem>>
      %dma_wait3A_66 = tpu.memref_squeeze %dma_wait3A_65 : memref<1x128xi32, #tpu.memory_space<vmem>> -> memref<128xi32, #tpu.memory_space<vmem>>
      %dma_wait3A_67 = arith.constant 0 : i32
      %dma_wait3A_68 = arith.constant 0 : i32
      %dma_wait3A_69 = tpu.memref_slice %arg5[%dma_wait3A_67, %dma_wait3A_68] : memref<45x128xf32, #tpu.memory_space<vmem_shared>> -> memref<45x128xf32, #tpu.memory_space<vmem_shared>>
      tpu.wait_indirect_dma semaphore(%arg12 : memref<!tpu.dma_semaphore, #tpu.memory_space<semaphore_mem>>) src(%dma_wait3A_69 : memref<45x128xf32, #tpu.memory_space<vmem_shared>>) dst(%arg7 : memref<128x128xf32, #tpu.memory_space<vmem>>)
      %mul3A_70 = arith.constant 128 : i32
      %mul3A_71 = arith.muli %add3A_63, %mul3A_70 : i32
      %add3A_72 = arith.addi %mul3A_2, %mul3A_71 : i32
      %dma_start3A_73 = arith.constant 0 : i32
      %dma_start3A_74 = tpu.memref_slice %arg4[%add3A_72, %dma_start3A_73] : memref<819200x128xf32, #tpu.memory_space<hbm>> -> memref<128x128xf32, #tpu.memory_space<hbm>>
      %dma_start3A_75 = arith.constant 0 : i32
      %dma_start3A_76 = tpu.memref_slice %arg4[%add3A_72, %dma_start3A_75] : memref<819200x128xf32, #tpu.memory_space<hbm>> -> memref<128x128xf32, #tpu.memory_space<hbm>>
      tpu.enqueue_dma source(%arg7 : memref<128x128xf32, #tpu.memory_space<vmem>>) target(%dma_start3A_76 : memref<128x128xf32, #tpu.memory_space<hbm>>) target_semaphore(%arg17 : memref<!tpu.dma_semaphore, #tpu.memory_space<semaphore_mem>>)
      %gt3A = arith.constant 0 : i32
      %gt3A_77 = arith.cmpi sgt, %scan3A_59, %gt3A : i32
      %convert_element_type3A_78 = arith.extui %gt3A_77 : i1 to i32
      %cond3A_79 = arith.constant 0 : i32
      %cond3A_80 = arith.cmpi ne, %convert_element_type3A_78, %cond3A_79 : i32
      scf.if %cond3A_80 {
        %add3A_184 = arith.constant 3 : i32
        %add3A_185 = arith.addi %add3A_63, %add3A_184 : i32
        %sub3A = arith.constant 5 : i32
        %sub3A_186 = arith.subi %add3A_185, %sub3A : i32
        %mul3A_187 = arith.constant 128 : i32
        %mul3A_188 = arith.muli %sub3A_186, %mul3A_187 : i32
        %add3A_189 = arith.addi %mul3A_2, %mul3A_188 : i32
        %dma_wait3A_190 = arith.constant 0 : i32
        %dma_wait3A_191 = tpu.memref_slice %arg4[%add3A_189, %dma_wait3A_190] : memref<819200x128xf32, #tpu.memory_space<hbm>> -> memref<128x128xf32, #tpu.memory_space<hbm>>
        %dma_wait3A_192 = arith.constant 0 : i32
        %dma_wait3A_193 = tpu.memref_slice %arg4[%add3A_189, %dma_wait3A_192] : memref<819200x128xf32, #tpu.memory_space<hbm>> -> memref<128x128xf32, #tpu.memory_space<hbm>>
        tpu.wait_dma2 semaphore(%arg20 : memref<!tpu.dma_semaphore, #tpu.memory_space<semaphore_mem>>) src(%arg10 : memref<128x128xf32, #tpu.memory_space<vmem>>) dst(%dma_wait3A_193 : memref<128x128xf32, #tpu.memory_space<hbm>>)
      } else {
      }
      %add3A_81 = arith.constant 3 : i32
      %add3A_82 = arith.addi %add3A_63, %add3A_81 : i32
      %dma_start3A_83 = arith.constant 0 : i32
      %dma_start3A_84 = tpu.memref_slice %arg6[%add3A_82, %dma_start3A_83] : memref<200x128xi32, #tpu.memory_space<vmem>> -> memref<1x128xi32, #tpu.memory_space<vmem>>
      %dma_start3A_85 = tpu.memref_squeeze %dma_start3A_84 : memref<1x128xi32, #tpu.memory_space<vmem>> -> memref<128xi32, #tpu.memory_space<vmem>>
      %dma_start3A_86 = arith.constant 0 : i32
      %dma_start3A_87 = arith.constant 0 : i32
      %dma_start3A_88 = tpu.memref_slice %arg5[%dma_start3A_86, %dma_start3A_87] : memref<45x128xf32, #tpu.memory_space<vmem_shared>> -> memref<45x128xf32, #tpu.memory_space<vmem_shared>>
      tpu.enqueue_indirect_dma source(%dma_start3A_88 : memref<45x128xf32, #tpu.memory_space<vmem_shared>>) target(%arg10 : memref<128x128xf32, #tpu.memory_space<vmem>>) offsets(%dma_start3A_85 : memref<128xi32, #tpu.memory_space<vmem>>) semaphore(%arg15 : memref<!tpu.dma_semaphore, #tpu.memory_space<semaphore_mem>>)
      %mul3A_89 = arith.constant 5 : i32
      %mul3A_90 = arith.muli %mul3A_89, %scan3A_59 : i32
      %add3A_91 = arith.constant 1 : i32
      %add3A_92 = arith.addi %mul3A_90, %add3A_91 : i32
      %dma_wait3A_93 = arith.constant 0 : i32
      %dma_wait3A_94 = tpu.memref_slice %arg6[%add3A_92, %dma_wait3A_93] : memref<200x128xi32, #tpu.memory_space<vmem>> -> memref<1x128xi32, #tpu.memory_space<vmem>>
      %dma_wait3A_95 = tpu.memref_squeeze %dma_wait3A_94 : memref<1x128xi32, #tpu.memory_space<vmem>> -> memref<128xi32, #tpu.memory_space<vmem>>
      %dma_wait3A_96 = arith.constant 0 : i32
      %dma_wait3A_97 = arith.constant 0 : i32
      %dma_wait3A_98 = tpu.memref_slice %arg5[%dma_wait3A_96, %dma_wait3A_97] : memref<45x128xf32, #tpu.memory_space<vmem_shared>> -> memref<45x128xf32, #tpu.memory_space<vmem_shared>>
      tpu.wait_indirect_dma semaphore(%arg13 : memref<!tpu.dma_semaphore, #tpu.memory_space<semaphore_mem>>) src(%dma_wait3A_98 : memref<45x128xf32, #tpu.memory_space<vmem_shared>>) dst(%arg8 : memref<128x128xf32, #tpu.memory_space<vmem>>)
      %mul3A_99 = arith.constant 128 : i32
      %mul3A_100 = arith.muli %add3A_92, %mul3A_99 : i32
      %add3A_101 = arith.addi %mul3A_2, %mul3A_100 : i32
      %dma_start3A_102 = arith.constant 0 : i32
      %dma_start3A_103 = tpu.memref_slice %arg4[%add3A_101, %dma_start3A_102] : memref<819200x128xf32, #tpu.memory_space<hbm>> -> memref<128x128xf32, #tpu.memory_space<hbm>>
      %dma_start3A_104 = arith.constant 0 : i32
      %dma_start3A_105 = tpu.memref_slice %arg4[%add3A_101, %dma_start3A_104] : memref<819200x128xf32, #tpu.memory_space<hbm>> -> memref<128x128xf32, #tpu.memory_space<hbm>>
      tpu.enqueue_dma source(%arg8 : memref<128x128xf32, #tpu.memory_space<vmem>>) target(%dma_start3A_105 : memref<128x128xf32, #tpu.memory_space<hbm>>) target_semaphore(%arg18 : memref<!tpu.dma_semaphore, #tpu.memory_space<semaphore_mem>>)
      %gt3A_106 = arith.constant 0 : i32
      %gt3A_107 = arith.cmpi sgt, %scan3A_59, %gt3A_106 : i32
      %convert_element_type3A_108 = arith.extui %gt3A_107 : i1 to i32
      %cond3A_109 = arith.constant 0 : i32
      %cond3A_110 = arith.cmpi ne, %convert_element_type3A_108, %cond3A_109 : i32
      scf.if %cond3A_110 {
        %add3A_184 = arith.constant 3 : i32
        %add3A_185 = arith.addi %add3A_92, %add3A_184 : i32
        %sub3A = arith.constant 5 : i32
        %sub3A_186 = arith.subi %add3A_185, %sub3A : i32
        %mul3A_187 = arith.constant 128 : i32
        %mul3A_188 = arith.muli %sub3A_186, %mul3A_187 : i32
        %add3A_189 = arith.addi %mul3A_2, %mul3A_188 : i32
        %dma_wait3A_190 = arith.constant 0 : i32
        %dma_wait3A_191 = tpu.memref_slice %arg4[%add3A_189, %dma_wait3A_190] : memref<819200x128xf32, #tpu.memory_space<hbm>> -> memref<128x128xf32, #tpu.memory_space<hbm>>
        %dma_wait3A_192 = arith.constant 0 : i32
        %dma_wait3A_193 = tpu.memref_slice %arg4[%add3A_189, %dma_wait3A_192] : memref<819200x128xf32, #tpu.memory_space<hbm>> -> memref<128x128xf32, #tpu.memory_space<hbm>>
        tpu.wait_dma2 semaphore(%arg21 : memref<!tpu.dma_semaphore, #tpu.memory_space<semaphore_mem>>) src(%arg11 : memref<128x128xf32, #tpu.memory_space<vmem>>) dst(%dma_wait3A_193 : memref<128x128xf32, #tpu.memory_space<hbm>>)
      } else {
      }
      %add3A_111 = arith.constant 3 : i32
      %add3A_112 = arith.addi %add3A_92, %add3A_111 : i32
      %dma_start3A_113 = arith.constant 0 : i32
      %dma_start3A_114 = tpu.memref_slice %arg6[%add3A_112, %dma_start3A_113] : memref<200x128xi32, #tpu.memory_space<vmem>> -> memref<1x128xi32, #tpu.memory_space<vmem>>
      %dma_start3A_115 = tpu.memref_squeeze %dma_start3A_114 : memref<1x128xi32, #tpu.memory_space<vmem>> -> memref<128xi32, #tpu.memory_space<vmem>>
      %dma_start3A_116 = arith.constant 0 : i32
      %dma_start3A_117 = arith.constant 0 : i32
      %dma_start3A_118 = tpu.memref_slice %arg5[%dma_start3A_116, %dma_start3A_117] : memref<45x128xf32, #tpu.memory_space<vmem_shared>> -> memref<45x128xf32, #tpu.memory_space<vmem_shared>>
      tpu.enqueue_indirect_dma source(%dma_start3A_118 : memref<45x128xf32, #tpu.memory_space<vmem_shared>>) target(%arg11 : memref<128x128xf32, #tpu.memory_space<vmem>>) offsets(%dma_start3A_115 : memref<128xi32, #tpu.memory_space<vmem>>) semaphore(%arg16 : memref<!tpu.dma_semaphore, #tpu.memory_space<semaphore_mem>>)
      %mul3A_119 = arith.constant 5 : i32
      %mul3A_120 = arith.muli %mul3A_119, %scan3A_59 : i32
      %add3A_121 = arith.constant 2 : i32
      %add3A_122 = arith.addi %mul3A_120, %add3A_121 : i32
      %dma_wait3A_123 = arith.constant 0 : i32
      %dma_wait3A_124 = tpu.memref_slice %arg6[%add3A_122, %dma_wait3A_123] : memref<200x128xi32, #tpu.memory_space<vmem>> -> memref<1x128xi32, #tpu.memory_space<vmem>>
      %dma_wait3A_125 = tpu.memref_squeeze %dma_wait3A_124 : memref<1x128xi32, #tpu.memory_space<vmem>> -> memref<128xi32, #tpu.memory_space<vmem>>
      %dma_wait3A_126 = arith.constant 0 : i32
      %dma_wait3A_127 = arith.constant 0 : i32
      %dma_wait3A_128 = tpu.memref_slice %arg5[%dma_wait3A_126, %dma_wait3A_127] : memref<45x128xf32, #tpu.memory_space<vmem_shared>> -> memref<45x128xf32, #tpu.memory_space<vmem_shared>>
      tpu.wait_indirect_dma semaphore(%arg14 : memref<!tpu.dma_semaphore, #tpu.memory_space<semaphore_mem>>) src(%dma_wait3A_128 : memref<45x128xf32, #tpu.memory_space<vmem_shared>>) dst(%arg9 : memref<128x128xf32, #tpu.memory_space<vmem>>)
      %mul3A_129 = arith.constant 128 : i32
      %mul3A_130 = arith.muli %add3A_122, %mul3A_129 : i32
      %add3A_131 = arith.addi %mul3A_2, %mul3A_130 : i32
      %dma_start3A_132 = arith.constant 0 : i32
      %dma_start3A_133 = tpu.memref_slice %arg4[%add3A_131, %dma_start3A_132] : memref<819200x128xf32, #tpu.memory_space<hbm>> -> memref<128x128xf32, #tpu.memory_space<hbm>>
      %dma_start3A_134 = arith.constant 0 : i32
      %dma_start3A_135 = tpu.memref_slice %arg4[%add3A_131, %dma_start3A_134] : memref<819200x128xf32, #tpu.memory_space<hbm>> -> memref<128x128xf32, #tpu.memory_space<hbm>>
      tpu.enqueue_dma source(%arg9 : memref<128x128xf32, #tpu.memory_space<vmem>>) target(%dma_start3A_135 : memref<128x128xf32, #tpu.memory_space<hbm>>) target_semaphore(%arg19 : memref<!tpu.dma_semaphore, #tpu.memory_space<semaphore_mem>>)
      %lt3A = arith.constant 39 : i32
      %lt3A_136 = arith.cmpi slt, %scan3A_59, %lt3A : i32
      %convert_element_type3A_137 = arith.extui %lt3A_136 : i1 to i32
      %cond3A_138 = arith.constant 0 : i32
      %cond3A_139 = arith.cmpi ne, %convert_element_type3A_137, %cond3A_138 : i32
      scf.if %cond3A_139 {
        %add3A_184 = arith.constant 3 : i32
        %add3A_185 = arith.addi %add3A_122, %add3A_184 : i32
        %sub3A = arith.constant 5 : i32
        %sub3A_186 = arith.subi %add3A_185, %sub3A : i32
        %mul3A_187 = arith.constant 128 : i32
        %mul3A_188 = arith.muli %sub3A_186, %mul3A_187 : i32
        %add3A_189 = arith.addi %mul3A_2, %mul3A_188 : i32
        %dma_wait3A_190 = arith.constant 0 : i32
        %dma_wait3A_191 = tpu.memref_slice %arg4[%add3A_189, %dma_wait3A_190] : memref<819200x128xf32, #tpu.memory_space<hbm>> -> memref<128x128xf32, #tpu.memory_space<hbm>>
        %dma_wait3A_192 = arith.constant 0 : i32
        %dma_wait3A_193 = tpu.memref_slice %arg4[%add3A_189, %dma_wait3A_192] : memref<819200x128xf32, #tpu.memory_space<hbm>> -> memref<128x128xf32, #tpu.memory_space<hbm>>
        tpu.wait_dma2 semaphore(%arg17 : memref<!tpu.dma_semaphore, #tpu.memory_space<semaphore_mem>>) src(%arg7 : memref<128x128xf32, #tpu.memory_space<vmem>>) dst(%dma_wait3A_193 : memref<128x128xf32, #tpu.memory_space<hbm>>)
        %add3A_194 = arith.constant 3 : i32
        %add3A_195 = arith.addi %add3A_122, %add3A_194 : i32
        %dma_start3A_196 = arith.constant 0 : i32
        %dma_start3A_197 = tpu.memref_slice %arg6[%add3A_195, %dma_start3A_196] : memref<200x128xi32, #tpu.memory_space<vmem>> -> memref<1x128xi32, #tpu.memory_space<vmem>>
        %dma_start3A_198 = tpu.memref_squeeze %dma_start3A_197 : memref<1x128xi32, #tpu.memory_space<vmem>> -> memref<128xi32, #tpu.memory_space<vmem>>
        %dma_start3A_199 = arith.constant 0 : i32
        %dma_start3A_200 = arith.constant 0 : i32
        %dma_start3A_201 = tpu.memref_slice %arg5[%dma_start3A_199, %dma_start3A_200] : memref<45x128xf32, #tpu.memory_space<vmem_shared>> -> memref<45x128xf32, #tpu.memory_space<vmem_shared>>
        tpu.enqueue_indirect_dma source(%dma_start3A_201 : memref<45x128xf32, #tpu.memory_space<vmem_shared>>) target(%arg7 : memref<128x128xf32, #tpu.memory_space<vmem>>) offsets(%dma_start3A_198 : memref<128xi32, #tpu.memory_space<vmem>>) semaphore(%arg12 : memref<!tpu.dma_semaphore, #tpu.memory_space<semaphore_mem>>)
      } else {
      }
      %mul3A_140 = arith.constant 5 : i32
      %mul3A_141 = arith.muli %mul3A_140, %scan3A_59 : i32
      %add3A_142 = arith.constant 3 : i32
      %add3A_143 = arith.addi %mul3A_141, %add3A_142 : i32
      %dma_wait3A_144 = arith.constant 0 : i32
      %dma_wait3A_145 = tpu.memref_slice %arg6[%add3A_143, %dma_wait3A_144] : memref<200x128xi32, #tpu.memory_space<vmem>> -> memref<1x128xi32, #tpu.memory_space<vmem>>
      %dma_wait3A_146 = tpu.memref_squeeze %dma_wait3A_145 : memref<1x128xi32, #tpu.memory_space<vmem>> -> memref<128xi32, #tpu.memory_space<vmem>>
      %dma_wait3A_147 = arith.constant 0 : i32
      %dma_wait3A_148 = arith.constant 0 : i32
      %dma_wait3A_149 = tpu.memref_slice %arg5[%dma_wait3A_147, %dma_wait3A_148] : memref<45x128xf32, #tpu.memory_space<vmem_shared>> -> memref<45x128xf32, #tpu.memory_space<vmem_shared>>
      tpu.wait_indirect_dma semaphore(%arg15 : memref<!tpu.dma_semaphore, #tpu.memory_space<semaphore_mem>>) src(%dma_wait3A_149 : memref<45x128xf32, #tpu.memory_space<vmem_shared>>) dst(%arg10 : memref<128x128xf32, #tpu.memory_space<vmem>>)
      %mul3A_150 = arith.constant 128 : i32
      %mul3A_151 = arith.muli %add3A_143, %mul3A_150 : i32
      %add3A_152 = arith.addi %mul3A_2, %mul3A_151 : i32
      %dma_start3A_153 = arith.constant 0 : i32
      %dma_start3A_154 = tpu.memref_slice %arg4[%add3A_152, %dma_start3A_153] : memref<819200x128xf32, #tpu.memory_space<hbm>> -> memref<128x128xf32, #tpu.memory_space<hbm>>
      %dma_start3A_155 = arith.constant 0 : i32
      %dma_start3A_156 = tpu.memref_slice %arg4[%add3A_152, %dma_start3A_155] : memref<819200x128xf32, #tpu.memory_space<hbm>> -> memref<128x128xf32, #tpu.memory_space<hbm>>
      tpu.enqueue_dma source(%arg10 : memref<128x128xf32, #tpu.memory_space<vmem>>) target(%dma_start3A_156 : memref<128x128xf32, #tpu.memory_space<hbm>>) target_semaphore(%arg20 : memref<!tpu.dma_semaphore, #tpu.memory_space<semaphore_mem>>)
      %lt3A_157 = arith.constant 39 : i32
      %lt3A_158 = arith.cmpi slt, %scan3A_59, %lt3A_157 : i32
      %convert_element_type3A_159 = arith.extui %lt3A_158 : i1 to i32
      %cond3A_160 = arith.constant 0 : i32
      %cond3A_161 = arith.cmpi ne, %convert_element_type3A_159, %cond3A_160 : i32
      scf.if %cond3A_161 {
        %add3A_184 = arith.constant 3 : i32
        %add3A_185 = arith.addi %add3A_143, %add3A_184 : i32
        %sub3A = arith.constant 5 : i32
        %sub3A_186 = arith.subi %add3A_185, %sub3A : i32
        %mul3A_187 = arith.constant 128 : i32
        %mul3A_188 = arith.muli %sub3A_186, %mul3A_187 : i32
        %add3A_189 = arith.addi %mul3A_2, %mul3A_188 : i32
        %dma_wait3A_190 = arith.constant 0 : i32
        %dma_wait3A_191 = tpu.memref_slice %arg4[%add3A_189, %dma_wait3A_190] : memref<819200x128xf32, #tpu.memory_space<hbm>> -> memref<128x128xf32, #tpu.memory_space<hbm>>
        %dma_wait3A_192 = arith.constant 0 : i32
        %dma_wait3A_193 = tpu.memref_slice %arg4[%add3A_189, %dma_wait3A_192] : memref<819200x128xf32, #tpu.memory_space<hbm>> -> memref<128x128xf32, #tpu.memory_space<hbm>>
        tpu.wait_dma2 semaphore(%arg18 : memref<!tpu.dma_semaphore, #tpu.memory_space<semaphore_mem>>) src(%arg8 : memref<128x128xf32, #tpu.memory_space<vmem>>) dst(%dma_wait3A_193 : memref<128x128xf32, #tpu.memory_space<hbm>>)
        %add3A_194 = arith.constant 3 : i32
        %add3A_195 = arith.addi %add3A_143, %add3A_194 : i32
        %dma_start3A_196 = arith.constant 0 : i32
        %dma_start3A_197 = tpu.memref_slice %arg6[%add3A_195, %dma_start3A_196] : memref<200x128xi32, #tpu.memory_space<vmem>> -> memref<1x128xi32, #tpu.memory_space<vmem>>
        %dma_start3A_198 = tpu.memref_squeeze %dma_start3A_197 : memref<1x128xi32, #tpu.memory_space<vmem>> -> memref<128xi32, #tpu.memory_space<vmem>>
        %dma_start3A_199 = arith.constant 0 : i32
        %dma_start3A_200 = arith.constant 0 : i32
        %dma_start3A_201 = tpu.memref_slice %arg5[%dma_start3A_199, %dma_start3A_200] : memref<45x128xf32, #tpu.memory_space<vmem_shared>> -> memref<45x128xf32, #tpu.memory_space<vmem_shared>>
        tpu.enqueue_indirect_dma source(%dma_start3A_201 : memref<45x128xf32, #tpu.memory_space<vmem_shared>>) target(%arg8 : memref<128x128xf32, #tpu.memory_space<vmem>>) offsets(%dma_start3A_198 : memref<128xi32, #tpu.memory_space<vmem>>) semaphore(%arg13 : memref<!tpu.dma_semaphore, #tpu.memory_space<semaphore_mem>>)
      } else {
      }
      %mul3A_162 = arith.constant 5 : i32
      %mul3A_163 = arith.muli %mul3A_162, %scan3A_59 : i32
      %add3A_164 = arith.constant 4 : i32
      %add3A_165 = arith.addi %mul3A_163, %add3A_164 : i32
      %dma_wait3A_166 = arith.constant 0 : i32
      %dma_wait3A_167 = tpu.memref_slice %arg6[%add3A_165, %dma_wait3A_166] : memref<200x128xi32, #tpu.memory_space<vmem>> -> memref<1x128xi32, #tpu.memory_space<vmem>>
      %dma_wait3A_168 = tpu.memref_squeeze %dma_wait3A_167 : memref<1x128xi32, #tpu.memory_space<vmem>> -> memref<128xi32, #tpu.memory_space<vmem>>
      %dma_wait3A_169 = arith.constant 0 : i32
      %dma_wait3A_170 = arith.constant 0 : i32
      %dma_wait3A_171 = tpu.memref_slice %arg5[%dma_wait3A_169, %dma_wait3A_170] : memref<45x128xf32, #tpu.memory_space<vmem_shared>> -> memref<45x128xf32, #tpu.memory_space<vmem_shared>>
      tpu.wait_indirect_dma semaphore(%arg16 : memref<!tpu.dma_semaphore, #tpu.memory_space<semaphore_mem>>) src(%dma_wait3A_171 : memref<45x128xf32, #tpu.memory_space<vmem_shared>>) dst(%arg11 : memref<128x128xf32, #tpu.memory_space<vmem>>)
      %mul3A_172 = arith.constant 128 : i32
      %mul3A_173 = arith.muli %add3A_165, %mul3A_172 : i32
      %add3A_174 = arith.addi %mul3A_2, %mul3A_173 : i32
      %dma_start3A_175 = arith.constant 0 : i32
      %dma_start3A_176 = tpu.memref_slice %arg4[%add3A_174, %dma_start3A_175] : memref<819200x128xf32, #tpu.memory_space<hbm>> -> memref<128x128xf32, #tpu.memory_space<hbm>>
      %dma_start3A_177 = arith.constant 0 : i32
      %dma_start3A_178 = tpu.memref_slice %arg4[%add3A_174, %dma_start3A_177] : memref<819200x128xf32, #tpu.memory_space<hbm>> -> memref<128x128xf32, #tpu.memory_space<hbm>>
      tpu.enqueue_dma source(%arg11 : memref<128x128xf32, #tpu.memory_space<vmem>>) target(%dma_start3A_178 : memref<128x128xf32, #tpu.memory_space<hbm>>) target_semaphore(%arg21 : memref<!tpu.dma_semaphore, #tpu.memory_space<semaphore_mem>>)
      %lt3A_179 = arith.constant 39 : i32
      %lt3A_180 = arith.cmpi slt, %scan3A_59, %lt3A_179 : i32
      %convert_element_type3A_181 = arith.extui %lt3A_180 : i1 to i32
      %cond3A_182 = arith.constant 0 : i32
      %cond3A_183 = arith.cmpi ne, %convert_element_type3A_181, %cond3A_182 : i32
      scf.if %cond3A_183 {
        %add3A_184 = arith.constant 3 : i32
        %add3A_185 = arith.addi %add3A_165, %add3A_184 : i32
        %sub3A = arith.constant 5 : i32
        %sub3A_186 = arith.subi %add3A_185, %sub3A : i32
        %mul3A_187 = arith.constant 128 : i32
        %mul3A_188 = arith.muli %sub3A_186, %mul3A_187 : i32
        %add3A_189 = arith.addi %mul3A_2, %mul3A_188 : i32
        %dma_wait3A_190 = arith.constant 0 : i32
        %dma_wait3A_191 = tpu.memref_slice %arg4[%add3A_189, %dma_wait3A_190] : memref<819200x128xf32, #tpu.memory_space<hbm>> -> memref<128x128xf32, #tpu.memory_space<hbm>>
        %dma_wait3A_192 = arith.constant 0 : i32
        %dma_wait3A_193 = tpu.memref_slice %arg4[%add3A_189, %dma_wait3A_192] : memref<819200x128xf32, #tpu.memory_space<hbm>> -> memref<128x128xf32, #tpu.memory_space<hbm>>
        tpu.wait_dma2 semaphore(%arg19 : memref<!tpu.dma_semaphore, #tpu.memory_space<semaphore_mem>>) src(%arg9 : memref<128x128xf32, #tpu.memory_space<vmem>>) dst(%dma_wait3A_193 : memref<128x128xf32, #tpu.memory_space<hbm>>)
        %add3A_194 = arith.constant 3 : i32
        %add3A_195 = arith.addi %add3A_165, %add3A_194 : i32
        %dma_start3A_196 = arith.constant 0 : i32
        %dma_start3A_197 = tpu.memref_slice %arg6[%add3A_195, %dma_start3A_196] : memref<200x128xi32, #tpu.memory_space<vmem>> -> memref<1x128xi32, #tpu.memory_space<vmem>>
        %dma_start3A_198 = tpu.memref_squeeze %dma_start3A_197 : memref<1x128xi32, #tpu.memory_space<vmem>> -> memref<128xi32, #tpu.memory_space<vmem>>
        %dma_start3A_199 = arith.constant 0 : i32
        %dma_start3A_200 = arith.constant 0 : i32
        %dma_start3A_201 = tpu.memref_slice %arg5[%dma_start3A_199, %dma_start3A_200] : memref<45x128xf32, #tpu.memory_space<vmem_shared>> -> memref<45x128xf32, #tpu.memory_space<vmem_shared>>
        tpu.enqueue_indirect_dma source(%dma_start3A_201 : memref<45x128xf32, #tpu.memory_space<vmem_shared>>) target(%arg9 : memref<128x128xf32, #tpu.memory_space<vmem>>) offsets(%dma_start3A_198 : memref<128xi32, #tpu.memory_space<vmem>>) semaphore(%arg14 : memref<!tpu.dma_semaphore, #tpu.memory_space<semaphore_mem>>)
      } else {
      }
    }
    %scan3A_29 = arith.constant 40 : i32
    %add3A_30 = arith.constant 24960 : i32
    %add3A_31 = arith.addi %mul3A_2, %add3A_30 : i32
    %dma_wait3A = arith.constant 0 : i32
    %dma_wait3A_32 = tpu.memref_slice %arg4[%add3A_31, %dma_wait3A] : memref<819200x128xf32, #tpu.memory_space<hbm>> -> memref<128x128xf32, #tpu.memory_space<hbm>>
    %dma_wait3A_33 = arith.constant 0 : i32
    %dma_wait3A_34 = tpu.memref_slice %arg4[%add3A_31, %dma_wait3A_33] : memref<819200x128xf32, #tpu.memory_space<hbm>> -> memref<128x128xf32, #tpu.memory_space<hbm>>
    tpu.wait_dma2 semaphore(%arg17 : memref<!tpu.dma_semaphore, #tpu.memory_space<semaphore_mem>>) src(%arg7 : memref<128x128xf32, #tpu.memory_space<vmem>>) dst(%dma_wait3A_34 : memref<128x128xf32, #tpu.memory_space<hbm>>)
    %add3A_35 = arith.constant 25088 : i32
    %add3A_36 = arith.addi %mul3A_2, %add3A_35 : i32
    %dma_wait3A_37 = arith.constant 0 : i32
    %dma_wait3A_38 = tpu.memref_slice %arg4[%add3A_36, %dma_wait3A_37] : memref<819200x128xf32, #tpu.memory_space<hbm>> -> memref<128x128xf32, #tpu.memory_space<hbm>>
    %dma_wait3A_39 = arith.constant 0 : i32
    %dma_wait3A_40 = tpu.memref_slice %arg4[%add3A_36, %dma_wait3A_39] : memref<819200x128xf32, #tpu.memory_space<hbm>> -> memref<128x128xf32, #tpu.memory_space<hbm>>
    tpu.wait_dma2 semaphore(%arg18 : memref<!tpu.dma_semaphore, #tpu.memory_space<semaphore_mem>>) src(%arg8 : memref<128x128xf32, #tpu.memory_space<vmem>>) dst(%dma_wait3A_40 : memref<128x128xf32, #tpu.memory_space<hbm>>)
    %add3A_41 = arith.constant 25216 : i32
    %add3A_42 = arith.addi %mul3A_2, %add3A_41 : i32
    %dma_wait3A_43 = arith.constant 0 : i32
    %dma_wait3A_44 = tpu.memref_slice %arg4[%add3A_42, %dma_wait3A_43] : memref<819200x128xf32, #tpu.memory_space<hbm>> -> memref<128x128xf32, #tpu.memory_space<hbm>>
    %dma_wait3A_45 = arith.constant 0 : i32
    %dma_wait3A_46 = tpu.memref_slice %arg4[%add3A_42, %dma_wait3A_45] : memref<819200x128xf32, #tpu.memory_space<hbm>> -> memref<128x128xf32, #tpu.memory_space<hbm>>
    tpu.wait_dma2 semaphore(%arg19 : memref<!tpu.dma_semaphore, #tpu.memory_space<semaphore_mem>>) src(%arg9 : memref<128x128xf32, #tpu.memory_space<vmem>>) dst(%dma_wait3A_46 : memref<128x128xf32, #tpu.memory_space<hbm>>)
    %add3A_47 = arith.constant 25344 : i32
    %add3A_48 = arith.addi %mul3A_2, %add3A_47 : i32
    %dma_wait3A_49 = arith.constant 0 : i32
    %dma_wait3A_50 = tpu.memref_slice %arg4[%add3A_48, %dma_wait3A_49] : memref<819200x128xf32, #tpu.memory_space<hbm>> -> memref<128x128xf32, #tpu.memory_space<hbm>>
    %dma_wait3A_51 = arith.constant 0 : i32
    %dma_wait3A_52 = tpu.memref_slice %arg4[%add3A_48, %dma_wait3A_51] : memref<819200x128xf32, #tpu.memory_space<hbm>> -> memref<128x128xf32, #tpu.memory_space<hbm>>
    tpu.wait_dma2 semaphore(%arg20 : memref<!tpu.dma_semaphore, #tpu.memory_space<semaphore_mem>>) src(%arg10 : memref<128x128xf32, #tpu.memory_space<vmem>>) dst(%dma_wait3A_52 : memref<128x128xf32, #tpu.memory_space<hbm>>)
    %add3A_53 = arith.constant 25472 : i32
    %add3A_54 = arith.addi %mul3A_2, %add3A_53 : i32
    %dma_wait3A_55 = arith.constant 0 : i32
    %dma_wait3A_56 = tpu.memref_slice %arg4[%add3A_54, %dma_wait3A_55] : memref<819200x128xf32, #tpu.memory_space<hbm>> -> memref<128x128xf32, #tpu.memory_space<hbm>>
    %dma_wait3A_57 = arith.constant 0 : i32
    %dma_wait3A_58 = tpu.memref_slice %arg4[%add3A_54, %dma_wait3A_57] : memref<819200x128xf32, #tpu.memory_space<hbm>> -> memref<128x128xf32, #tpu.memory_space<hbm>>
    tpu.wait_dma2 semaphore(%arg21 : memref<!tpu.dma_semaphore, #tpu.memory_space<semaphore_mem>>) src(%arg11 : memref<128x128xf32, #tpu.memory_space<vmem>>) dst(%dma_wait3A_58 : memref<128x128xf32, #tpu.memory_space<hbm>>)
    return
  }
}

</mosaic_0001>

<sc_bundles>
// kernel: kernel.3.cloned.1.call-start
scs
__scs_entry_jumppad:
0x0: {  	(pc) =	sbr.rel $0x88, $3  }
0x1: {  	(tag) =	ssettag $0x0;
	lr =	simm.s32 $0x1  }
0x2: {  	[smem:$0x3F9F] =	sst lr;
	_ =	strace $0xD0000000  }
0x3: {  	_ = 	snop  }
0x4: {  	_ = 	snop  }
0x5: {  	_ = 	snop  }
0x6: {  	_ = 	snop  }
0x7: {  	_ = 	snop  }
__scs_overlays_trampoline_lowered:
0x8: {  	[smem:$0x3FAE] =	sst s0  }
0x9: {  	[smem:$0x3FAF] =	sst s1  }
0xa: {  	[smem:$0x3FB0] =	sst s2  }
0xb: {  	[smem:$0x3FB1] =	sst s3  }
0xc: {  	[smem:$0x3FB2] =	sst s4  }
0xd: {  	[smem:$0x3FB3] =	sst s5  }
0xe: {  	[smem:$0x3FB4] =	sst s6  }
0xf: {  	[smem:$0x3FB5] =	sst s7  }
0x10: {  	[smem:$0x3FB6] =	sst s8  }
0x11: {  	[smem:$0x3FB7] =	sst s9;
	s0 =	simm.s32 @!p0 $0x0  }
0x12: {  	s1 =	sld [smem:$0x3F9D];
	s0 =	simm.s32 @p0 $0x1  }
0x13: {  	[smem:$0x3FB8] =	sst s0;
	s0 =	simm.s32 @!p1 $0x0  }
0x14: {  	s2 =	sld [smem:$0x3F9C];
	s0 =	simm.s32 @p1 $0x1  }
0x15: {  	[smem:$0x3FB9] =	sst s0;
	s0 =	simm.s32 @!p2 $0x0  }
0x16: {  	s3 =	sld [smem:$0x3FDB];
	s0 =	simm.s32 @p2 $0x1  }
0x17: {  	s4 =	simm.s32 $0x1BF5;
	[smem:$0x3FBB] =	sst s0  }
0x18: {  	s0 =	sld [smem:$0x3F9E];
	_ =	swait.ge [sflag:s4], $0x0  }
0x19: {  	s7 =	sld [smem:$0x3F9F]  }
0x1a: {  	s8 =	sadd.s32 $0xFFFFE003, lr  }
0x1b: {  	s9 =	sadd.s32 $0xFFFFFEF7, lr;
	s5 =	simm.s32 $0xFFFFFFFF;
	p2 =	slt.u32 s8, $0xFFFFF086  }
0x1c: {  	p1 =	slt.u32 s9, $0xF7A;
	s5 =	simm.s32 @!p2 $0x0  }
0x1d: {  	s5 =	simm.s32 @p1 $0x1;
	p0 =	seq.s32 s7, s2  }
0x1e: {  	s7 =	smul.u32 @!p0 $0xF7A, s2;
	p2 =	seq.s32 @!p0 s5, $0x0  }
0x1f: {  	s9 =	smul.u32 $0xF7A, s1;
	s8 =	simm.s32 @!p0 $0x1BF5;
	p2 =	por !p2, p0  }
0x20: {  	[sflag:s8] =	ssyncset.s32 @!p0 $0xFFFFF086;
	s6 =	sadd.s32 @!p0 s3, s7;
	s7 =	simm.s32 @!p0 $0x108  }
0x21: {  	s3 =	sadd.s32 s3, s9;
	s6 =	sadd.s32 @!p0 $0x88, s6;
	s7 =	simm.s32 @p2 $0x1082  }
0x22: {  	[simem:s7], [sflag:s8] =	dma.local @!p0 [hbm:s6], $0xF7A  }
0x23: {  	s9 =	sor.u32 $0xD0000000, s2;
	s6 =	simm.s32 $0x108;
	_ =	swait.ge @!p0 [sflag:s8], $0x0  }
0x24: {  	s3 =	sadd.s32 $0x88, s3;
	s6 =	simm.s32 @!p1 $0x1082;
	[sflag:s4] =	ssyncset.s32 $0xFFFFF086  }
0x25: {  	[simem:s6], [sflag:s4] =	dma.local [hbm:s3], $0xF7A  }
0x26: {  	[smem:$0x3F9F] =	sst s1;
	(tag) =	ssettag s2;
	_ =	strace s9  }
0x27: {  	s1 =	sld [smem:$0x3FAF]  }
0x28: {  	s2 =	sld [smem:$0x3FB0]  }
0x29: {  	s4 =	sld [smem:$0x3FB2]  }
0x2a: {  	p0 =	seq.s32 s5, $0x0;
	s5 =	sld [smem:$0x3FB3]  }
0x2b: {  	s6 =	sld [smem:$0x3FB4]  }
0x2c: {  	s7 =	sld [smem:$0x3FB5]  }
0x2d: {  	s3 =	simm.s32 $0x108;
	s8 =	sld [smem:$0x3FB6]  }
0x2e: {  	s3 =	simm.s32 @!p0 $0x1082;
	s9 =	sld [smem:$0x3FB7]  }
0x2f: {  	lr =	sadd.s32 s0, s3;
	s0 =	sld [smem:$0x3FAE]  }
0x30: {  	s3 =	sld [smem:$0x3FB1]  }
0x31: {  	[smem:$0x3FBA] =	sst s10  }
0x32: {  	s10 =	sld [smem:$0x3FB8];
	_ =	sdelay $0x3  }
0x33: {  	p0 =	seq.s32 s10, $0x1;
	s10 =	sld [smem:$0x3FBA];
	_ =	sdelay $0x3  }
0x34: {  	[smem:$0x3FBA] =	sst s10  }
0x35: {  	s10 =	sld [smem:$0x3FB9];
	_ =	sdelay $0x3  }
0x36: {  	p1 =	seq.s32 s10, $0x1;
	s10 =	sld [smem:$0x3FBA];
	_ =	sdelay $0x3  }
0x37: {  	[smem:$0x3FBA] =	sst s10  }
0x38: {  	s10 =	sld [smem:$0x3FBB]  }
0x39: {  	_ = 	snop;
	(pc) =	sbr.ind lr, $3  }
0x3a: {  	_ = 	snop  }
0x3b: {  	_ = 	snop  }
0x3c: {  	p2 =	seq.s32 s10, $0x1;
	s10 =	sld [smem:$0x3FBA]  }
0x3d: {  	_ =	shalt  }
0x3e: {  	_ =	shalt  }
0x3f: {  	_ =	shalt  }
0x40: {  	_ =	shalt  }
0x41: {  	_ =	shalt  }
0x42: {  	_ =	shalt  }
0x43: {  	_ =	shalt  }
0x44: {  	_ =	shalt  }
0x45: {  	_ =	shalt  }
0x46: {  	_ =	shalt  }
0x47: {  	_ =	shalt  }
0x48: {  	_ =	shalt  }
0x49: {  	_ =	shalt  }
0x4a: {  	_ =	shalt  }
0x4b: {  	_ =	shalt  }
0x4c: {  	_ =	shalt  }
0x4d: {  	_ =	shalt  }
0x4e: {  	_ =	shalt  }
0x4f: {  	_ =	shalt  }
0x50: {  	_ =	shalt  }
0x51: {  	_ =	shalt  }
0x52: {  	_ =	shalt  }
0x53: {  	_ =	shalt  }
0x54: {  	_ =	shalt  }
0x55: {  	_ =	shalt  }
0x56: {  	_ =	shalt  }
0x57: {  	_ =	shalt  }
0x58: {  	_ =	shalt  }
0x59: {  	_ =	shalt  }
0x5a: {  	_ =	shalt  }
0x5b: {  	_ =	shalt  }
0x5c: {  	_ =	shalt  }
0x5d: {  	_ =	shalt  }
0x5e: {  	_ =	shalt  }
0x5f: {  	_ =	shalt  }
0x60: {  	_ =	shalt  }
0x61: {  	_ =	shalt  }
0x62: {  	_ =	shalt  }
0x63: {  	_ =	shalt  }
0x64: {  	_ =	shalt  }
0x65: {  	_ =	shalt  }
0x66: {  	_ =	shalt  }
0x67: {  	_ =	shalt  }
0x68: {  	_ =	shalt  }
0x69: {  	_ =	shalt  }
0x6a: {  	_ =	shalt  }
0x6b: {  	_ =	shalt  }
0x6c: {  	_ =	shalt  }
0x6d: {  	_ =	shalt  }
0x6e: {  	_ =	shalt  }
0x6f: {  	_ =	shalt  }
0x70: {  	_ =	shalt  }
0x71: {  	_ =	shalt  }
0x72: {  	_ =	shalt  }
0x73: {  	_ =	shalt  }
0x74: {  	_ =	shalt  }
0x75: {  	_ =	shalt  }
0x76: {  	_ =	shalt  }
0x77: {  	_ =	shalt  }
0x78: {  	_ =	shalt  }
0x79: {  	_ =	shalt  }
0x7a: {  	_ =	shalt  }
0x7b: {  	_ =	shalt  }
0x7c: {  	_ =	shalt  }
0x7d: {  	_ =	shalt  }
0x7e: {  	_ =	shalt  }
0x7f: {  	_ =	shalt  }
0x80: {  	_ =	shalt  }
0x81: {  	_ =	shalt  }
0x82: {  	_ =	shalt  }
0x83: {  	_ =	shalt  }
0x84: {  	_ =	shalt  }
0x85: {  	_ =	shalt  }
0x86: {  	_ =	shalt  }
0x87: {  	_ =	shalt  }
.Lfunc_end0:
.L_simem_size_0:
called_computation_lowered:
.L_overlay_start_0:
0x88: {  	s2 =	sld [smem:$0x3FD9]  }
0x89: {  	s3 =	sld [smem:$0x3FFE];
	_ =	sdelay $0x1  }
0x8a: {  	s1 =	srdreg.scid  }
0x8b: {  	s0 =	sand.u32 $0x1, s1  }
0x8c: {  	s17 =	sshll.u32 s0, $0xA;
	s2 =	sadd.s32 s3, s2  }
0x8d: {  	s2 =	sadd.s32 s2, s17  }
0x8e: {  	[smem:$0x3FC6] =	sst s2  }
0x8f: {  	_ = 	snop  }
0x90: {  	s2 =	sld [smem:$0x3FC8]  }
0x91: {  	s18 =	sld [smem:$0x3FD0];
	(tm) =	ssettm $0x1  }
0x92: {  	s4 =	sld [smem:$0x3FFB];
	_ =	sdelay $0x3  }
0x93: {  	_ =	strace s4  }
0x94: {  	s4 =	sld [smem:$0x3FFC];
	_ =	sdelay $0x3  }
0x95: {  	_ =	strace s4  }
0x96: {  	s4 =	sld [smem:$0x3FFD];
	_ =	sdelay $0x3  }
0x97: {  	_ =	strace s4  }
0x98: {  	_ =	strace $0x8FFFFFFF  }
0x99: {  	s19 =	sld [smem:$0x3FDB];
	_ =	sdelay $0x1  }
0x9a: {  	s5 =	simm.s32 $_scs_section_size  }
0x9b: {  	s6 =	simm.s32 $_size__tile_overlayer_lowered;
	s7 =	simm.s32 $_tile_overlayer_lowered  }
0x9c: {  	s22 =	simm.s32 $0x1BFF;
	s21 =	sshll.u32 s7, $0x1;
	s4 =	sadd.s32 s5, s19  }
0x9d: {  	s8 =	simm.s32 $0x0;
	s20 =	sshll.u32 s6, $0x1;
	s6 =	sadd.s32 s21, s4  }
0x9e: {  	[timem:s8], [sflag:s22] =	dma.local [hbm:s6], s20  }
0x9f: {  	_ =	swait.ge [sflag:s22], s20  }
0xa0: {  	s5 =	ssub.s32 $0x0, s20;
	[sflag:s22] =	ssyncset.done $0x0  }
0xa1: {  	[sflag:s22] =	ssyncadd.s32 s5;
	_ =	sdelay $0x1  }
0xa2: {  	s23 =	simm.s32 $0x1B8B  }
0xa3: {  	_ =	swait.ge [sflag:s23], $0x1  }
0xa4: {  	[sflag:s23] =	ssyncset.done $0x0  }
0xa5: {  	s25 =	simm.s32 $0x1B8E;
	s24 =	sld [smem:$0x3FFE];
	[sflag:s23] =	ssyncadd.s32 $0xFFFFFFFF  }
0xa6: {  	s26 =	simm.s32 $execute0_lowered;
	[smem:$0x3FD2] =	sst s25  }
0xa7: {  	s6 =	sshll.u32 s26, $0x1;
	_ =	strace $0x80000046;
	[dreg:$0x1] =	wrdreg $0xFFFFFFFF  }
0xa8: {  	s28 =	simm.s32 $_size_execute0_lowered;
	s4 =	sadd.s32 s4, s6;
	[dreg:$0x0] =	wrdreg $0x0  }
0xa9: {  	s6 =	sshll.u32 s28, $0x1;
	[dreg:$0x2] =	wrdreg s4  }
0xaa: {  	[dreg:$0x3] =	wrdreg s6  }
0xab: {  	[dreg:$0x4] =	wrdreg $0xC0  }
0xac: {  	_ =	task [dreg:s8], $0x5FFFF  }
0xad: {  	[dreg:$0x1] =	wrdreg $0xFFFFFFFF  }
0xae: {  	[dreg:$0x0] =	wrdreg $0x60  }
0xaf: {  	[dreg:$0x2] =	wrdreg s2  }
0xb0: {  	[dreg:$0x3] =	wrdreg s24  }
0xb1: {  	[dreg:$0x4] =	wrdreg s18  }
0xb2: {  	[dreg:$0x5] =	wrdreg $0x0  }
0xb3: {  	[dreg:$0x6] =	wrdreg $0x9  }
0xb4: {  	_ =	task.clear_ibuf [dreg:s8], $0x7FFFF;
	_ =	strace $0x90000046  }
0xb5: {  	s29 =	simm.s32 $0x9;
	_ =	strace $0x80000048  }
0xb6: {  	_ =	swait.ge [sflag:s29], $0x1  }
0xb7: {  	[sflag:s29] =	ssyncadd.s32 $0xFFFFFFFF  }
0xb8: {  	_ =	strace $0x90000048  }
0xb9: {  	_ =	sfence  }
0xba: {  	s30 =	sld [smem:$0x0];
	_ =	sdelay $0x2  }
0xbb: {  	s31 =	sshll.u32 s1, $0xD;
	s1 =	sshrl.u32 s1, $0x2  }
0xbc: {  	s3 =	sand.u32 $0x4000, s31;
	s1 =	sadd.s32 s1, s30  }
0xbd: {  	s0 =	sor.u32 s3, s0;
	s1 =	sshll.u32 s1, $0x11  }
0xbe: {  	s0 =	sor.u32 s1, s0  }
0xbf: {  	s0 =	sadd.s32 $0x8F2B, s0  }
0xc0: {  	[sflag:s0] =	ssyncadd.remote.s32 $0x1  }
0xc1: {  	_ =	sfence.sel $0xFFFF  }
0xc2: {  	[dreg:$0x0] =	wrdreg $0xFFFFFFFF;
	(pc) =	sbr.abs _section_cstart, $3  }
0xc3: {  	[dreg:$0x1] =	wrdreg $0xFFFFFFFF  }
0xc4: {  	_ =	task.clear_ibuf [dreg:s8], $0x2FFFF;
	_ =	strace $0x9FFFFFFF  }
0xc5: {  	(tm) =	ssettm $0x7FFFFFFF  }
tec
execute0_lowered:
.L_overlay_start_1:
0x0: {  	(tag) =	ssettag $0x1  }
0x1: {  	s4 =	rddreg [dreg:$0x1]  }
0x2: {  	s5 =	rddreg [dreg:$0x2]  }
0x3: {  	s1 =	srdreg.scid;
	s7 =	stileid.u32  }
0x4: {  	s2 =	rddreg [dreg:$0x3];
	s3 =	simm.s32 $0x0;
	s11 =	simm.s32 $0x6568  }
0x5: {  	s13 =	simm.s32 $0xA568;
	s15 =	simm.s32 $0xE568;
	s16 =	simm.s32 $0x1  }
0x6: {  	s17 =	simm.s32 $0x12568;
	s18 =	simm.s32 $0x2;
	s19 =	simm.s32 $0x16568  }
0x7: {  	s20 =	simm.s32 $0x3;
	s21 =	simm.s32 $0x5;
	s22 =	simm.s32 $0x6  }
0x8: {  	s23 =	simm.s32 $0x7;
	s24 =	simm.s32 $0x8;
	s25 =	simm.s32 $0x9  }
0x9: {  	s26 =	simm.s32 $0xA;
	s28 =	simm.s32 $0x0;
	s6 =	sand.u32 $0x1, s1  }
0xa: {  	s8 =	sshll.u32 s7, $0x1;
	[smem:$0x7FF] =	sst s3;
	s9 =	smul.u32 $0xC8000, s7  }
0xb: {  	s8 =	sor.u32 s6, s8;
	s10 =	ssub.s32 $0x2, s6;
	s6 =	smul.u32 $0x64000, s6  }
0xc: {  	p0 =	sne.s32 s7, $0x0;
	_ =	strace $0x80000047;
	s8 =	smul.u32 $0x6400, s8  }
.Ltmp0:
0xd: {  	s7 =	sshrl.u32 @!p0 s2, $0x3;
	s5 =	sadd.s32 s9, s5;
	(pc) =	sbr.rel .LBB2_1-.Ltmp0, $4  }
0xe: {  	s31 =	sshrl.u32 s10, $0x1;
	s6 =	sadd.s32 s6, s5;
	s8 =	sshrl.u32 s8, $0x3  }
0xf: {  	s9 =	simm.s32 $0xB;
	s6 =	sadd.s32 $0x1000, s6;
	s4 =	sadd.s32 s8, s4  }
0x10: {  	s8 =	ssub.s32 s10, s31;
	s10 =	simm.s32 $0x80;
	s0 =	sadd.s32 $0x400, s4  }
0x11: {  	s5 =	smax.u32 s8, $0x1;
	s8 =	simm.s32 $0x168;
	[dreg:$0x5] =	wrdreg s0  }
.LBB2_4:
0x12: {  	_ =	swait.ge [sflag:s22], $0x4000  }
0x13: {  	[sflag:s22] =	ssyncset.done $0x0  }
0x14: {  	[sflag:s22] =	ssyncadd.s32 $0xFFFFC000  }
0x15: {  	_ =	swait.ge [sflag:s23], $0x4000  }
0x16: {  	[sflag:s23] =	ssyncset.done $0x0  }
0x17: {  	[sflag:s23] =	ssyncadd.s32 $0xFFFFC000  }
0x18: {  	_ =	swait.ge [sflag:s24], $0x4000  }
0x19: {  	[sflag:s24] =	ssyncset.done $0x0  }
0x1a: {  	s28 =	sadd.s32 $0x1, s28;
	[sflag:s24] =	ssyncadd.s32 $0xFFFFC000  }
0x1b: {  	p1 =	sne.s32 s28, s5;
	_ =	swait.ge [sflag:s25], $0x4000  }
.Ltmp1:
0x1c: {  	[sflag:s25] =	ssyncset.done $0x0;
	(pc) =	sbr.rel @!p1 .LBB2_5-.Ltmp1, $4  }
0x1d: {  	[sflag:s25] =	ssyncadd.s32 $0xFFFFC000  }
0x1e: {  	_ =	swait.ge [sflag:s26], $0x4000  }
0x1f: {  	[sflag:s26] =	ssyncset.done $0x0  }
0x20: {  	[sflag:s26] =	ssyncadd.s32 $0xFFFFC000  }
.LBB2_1:
0x21: {  	s29 =	simm.s32 @!p0 $0x1C0B;
	s0 =	rddreg [dreg:$0x0]  }
0x22: {  	[spmem:s7], [sflag:s29] =	dma.local @!p0 [hbm:s0], $0x2D0  }
0x23: {  	s29 =	simm.s32 @!p0 $0xB  }
0x24: {  	_ =	swait.ge @!p0 [sflag:s29], $0x2D0  }
0x25: {  	[sflag:s29] =	ssyncset.done @!p0 $0x0  }
0x26: {  	s12 =	rddreg [dreg:$0x5];
	[sflag:s29] =	ssyncadd.s32 @!p0 $0xFFFFFD30  }
0x27: {  	[tilespmem:s8], [sflag:$0xB] =	stream.linear.gather [hbm4b:s12+s3], $0x6400, $0x38;
	[tilespmem:$0x1A568] =	vst v63  }
0x28: {  	_ =	swait.ge [sflag:s9], $0x6400  }
0x29: {  	[sflag:s9] =	ssyncset.done $0x0  }
0x2a: {  	[sflag:s9] =	ssyncadd.s32 $0xFFFF9C00  }
0x2b: {  	[bflag:$0x0] =	sbarrier.arrive $0xFFFF  }
0x2c: {  	[tilespmem:s11], [sflag:$0x1] =	stream.indirect.gather [spmem:s2], $0x80, s8, s10, $0xb8;
	[tilespmem:$0x1A568] =	vst v63  }
0x2d: {  	s14 =	simm.s32 $0x1E8  }
0x2e: {  	[tilespmem:s13], [sflag:$0x2] =	stream.indirect.gather [spmem:s2], $0x80, s14, s10, $0xb8;
	[tilespmem:$0x1A568] =	vst v63  }
0x2f: {  	s31 =	simm.s32 $0x268;
	s30 =	simm.s32 $0x0;
	s29 =	smov.u32 s6  }
0x30: {  	[tilespmem:s15], [sflag:$0x3] =	stream.indirect.gather [spmem:s2], $0x80, s31, s10, $0xb8;
	[tilespmem:$0x1A568] =	vst v63  }
.LBB2_2:
0x31: {  	_ =	swait.ge [sflag:s16], $0x4000  }
0x32: {  	p1 =	seq.s32 s30, $0x0;
	[sflag:s16] =	ssyncset.done $0x0  }
0x33: {  	s31 =	sadd.s32 $0xFFFFF000, s29;
	s1 =	simm.s32 @!p1 $0x9;
	[sflag:s16] =	ssyncadd.s32 $0xFFFFC000  }
0x34: {  	[hbm4b:s31+s3] =	stream.linear.scatter [tilespmem:s11], [sflag:$0x6], $0x4000, $0x38;
	[tilespmem:$0x1A568] =	vst v63  }
0x35: {  	_ =	swait.ge @!p1 [sflag:s1], $0x4000  }
0x36: {  	s31 =	sshra.s32 s30, $0x2;
	[sflag:s1] =	ssyncset.done @!p1 $0x0  }
0x37: {  	s0 =	sadd.s32 $0x2E8, s31;
	[sflag:s1] =	ssyncadd.s32 @!p1 $0xFFFFC000  }
0x38: {  	[tilespmem:s17], [sflag:$0x4] =	stream.indirect.gather [spmem:s2], $0x80, s0, s10, $0xb8;
	[tilespmem:$0x1A568] =	vst v63  }
0x39: {  	_ =	swait.ge [sflag:s18], $0x4000  }
0x3a: {  	[sflag:s18] =	ssyncset.done $0x0  }
0x3b: {  	s4 =	sadd.s32 $0xFFFFF800, s29;
	s1 =	simm.s32 @!p1 $0xA;
	[sflag:s18] =	ssyncadd.s32 $0xFFFFC000  }
0x3c: {  	[hbm4b:s4+s3] =	stream.linear.scatter [tilespmem:s13], [sflag:$0x7], $0x4000, $0x38;
	[tilespmem:$0x1A568] =	vst v63  }
0x3d: {  	_ =	swait.ge @!p1 [sflag:s1], $0x4000  }
0x3e: {  	[sflag:s1] =	ssyncset.done @!p1 $0x0  }
0x3f: {  	s12 =	sadd.s32 $0x368, s31;
	[sflag:s1] =	ssyncadd.s32 @!p1 $0xFFFFC000  }
0x40: {  	[tilespmem:s19], [sflag:$0x5] =	stream.indirect.gather [spmem:s2], $0x80, s12, s10, $0xb8;
	[tilespmem:$0x1A568] =	vst v63  }
0x41: {  	_ =	swait.ge [sflag:s20], $0x4000  }
0x42: {  	p1 =	seq.s32 s30, $0x18600;
	[sflag:s20] =	ssyncset.done $0x0  }
0x43: {  	s1 =	simm.s32 @p1 $0x4;
	[sflag:s20] =	ssyncadd.s32 $0xFFFFC000  }
0x44: {  	[hbm4b:s29+s3] =	stream.linear.scatter [tilespmem:s15], [sflag:$0x8], $0x4000, $0x38;
	[tilespmem:$0x1A568] =	vst v63  }
0x45: {  	_ =	swait.ge @p1 [sflag:s1], $0x4000  }
0x46: {  	s0 =	simm.s32 @p1 $0x0;
	[sflag:s1] =	ssyncset.done @p1 $0x0  }
0x47: {  	s12 =	simm.s32 @p1 $0x12568;
	[sflag:s1] =	ssyncadd.s32 @p1 $0xFFFFC000;
	s1 =	sadd.s32 @p1 $0x800, s29  }
0x48: {  	[hbm4b:s1+s0] =	stream.linear.scatter @p1 [tilespmem:s12], [sflag:$0x9], $0x4000, $0x38;
	[tilespmem:$0x1A568] =	vst v63  }
0x49: {  	s0 =	simm.s32 @!p1 $0x6  }
0x4a: {  	_ =	swait.ge @!p1 [sflag:s0], $0x4000  }
0x4b: {  	[sflag:s0] =	ssyncset.done @!p1 $0x0  }
0x4c: {  	[sflag:s0] =	ssyncadd.s32 @!p1 $0xFFFFC000;
	s0 =	sshra.s32 @!p1 s30, $0x2  }
0x4d: {  	s14 =	simm.s32 @!p1 $0x6568;
	s12 =	simm.s32 @!p1 $0x80;
	s1 =	sadd.s32 @!p1 $0x3E8, s0  }
0x4e: {  	[tilespmem:s14], [sflag:$0x1] =	stream.indirect.gather @!p1 [spmem:s2], $0x80, s1, s12, $0xb8;
	[tilespmem:$0x1A568] =	vst v63  }
0x4f: {  	s1 =	simm.s32 @!p1 $0x4  }
0x50: {  	_ =	swait.ge @!p1 [sflag:s1], $0x4000  }
0x51: {  	s4 =	simm.s32 @!p1 $0x12568;
	[sflag:s1] =	ssyncset.done @!p1 $0x0  }
0x52: {  	s14 =	simm.s32 @!p1 $0x0;
	[sflag:s1] =	ssyncadd.s32 @!p1 $0xFFFFC000;
	s1 =	sadd.s32 @!p1 $0x800, s29  }
0x53: {  	[hbm4b:s1+s14] =	stream.linear.scatter @!p1 [tilespmem:s4], [sflag:$0x9], $0x4000, $0x38;
	[tilespmem:$0x1A568] =	vst v63  }
0x54: {  	s1 =	simm.s32 @!p1 $0x7  }
0x55: {  	_ =	swait.ge @!p1 [sflag:s1], $0x4000  }
0x56: {  	[sflag:s1] =	ssyncset.done @!p1 $0x0  }
0x57: {  	s0 =	sadd.s32 @!p1 $0x468, s0;
	[sflag:s1] =	ssyncadd.s32 @!p1 $0xFFFFC000;
	s1 =	simm.s32 @!p1 $0xA568  }
0x58: {  	[tilespmem:s1], [sflag:$0x2] =	stream.indirect.gather @!p1 [spmem:s2], $0x80, s0, s12, $0xb8;
	[tilespmem:$0x1A568] =	vst v63  }
.Ltmp2:
0x59: {  	_ = 	snop;
	(pc) =	sbr.rel @p1 .LBB2_4-.Ltmp2, $4  }
0x5a: {  	_ =	swait.ge [sflag:s21], $0x4000  }
0x5b: {  	[sflag:s21] =	ssyncset.done $0x0  }
0x5c: {  	s14 =	sadd.s32 $0x1000, s29;
	[sflag:s21] =	ssyncadd.s32 $0xFFFFC000  }
0x5d: {  	[hbm4b:s14+s3] =	stream.linear.scatter [tilespmem:s19], [sflag:$0xA], $0x4000, $0x38;
	[tilespmem:$0x1A568] =	vst v63  }
.Ltmp3:
0x5e: {  	(pc) =	sbr.rel .LBB2_2-.Ltmp3, $4  }
0x5f: {  	_ =	swait.ge [sflag:s24], $0x4000  }
0x60: {  	s0 =	sadd.s32 $0x4E8, s31;
	[sflag:s24] =	ssyncset.done $0x0  }
0x61: {  	s30 =	sadd.s32 $0xA00, s30;
	s29 =	sadd.s32 $0x2800, s29;
	[sflag:s24] =	ssyncadd.s32 $0xFFFFC000  }
0x62: {  	[tilespmem:s15], [sflag:$0x3] =	stream.indirect.gather [spmem:s2], $0x80, s0, s10, $0xb8;
	[tilespmem:$0x1A568] =	vst v63  }
.LBB2_5:
0x63: {  	_ =	sfence.sel $0x180000  }
0x64: {  	[bflag:$0x0] =	sbarrier.arrive $0xFFFF  }
0x65: {  	_ =	strace $0x90000047  }
0x66: {  	[bflag:$0x2] =	sbarrier.arrive $0xFFFF  }
0x67: {  	s0 =	rddreg [dreg:$0x4]  }
0x68: {  	s0 =	sadd.s32 @!p0 $0x100000, s0  }
0x69: {  	[sflag:s0] =	ssyncadd.tile.s32 @!p0 $0x1;
	_ =	shalt  }
.Lfunc_end2:
_tile_overlayer_lowered:
.L_overlay_start_2:
0x6a: {  	(tag) =	ssettag $0x2  }
0x6b: {  	s0 =	rddreg [dreg:$0x0];
	s2 =	stileid.u32  }
0x6c: {  	s1 =	rddreg [dreg:$0x1];
	p0 =	sne.s32 s2, $0x0  }
0x6d: {  	s3 =	rddreg [dreg:$0x2];
	[bflag:$0x3] =	sbarrier.arrive $0xFFFF;
	s2 =	simm.s32 @!p0 $0x1C0B  }
0x6e: {  	[timem:s3], [sflag:s2] =	dma.local @!p0 [hbm:s0], s1  }
0x6f: {  	s0 =	simm.s32 @!p0 $0xB  }
0x70: {  	_ =	swait.ge @!p0 [sflag:s0], s1  }
0x71: {  	s1 =	ssub.s32 @!p0 $0x0, s1;
	[sflag:s0] =	ssyncset.done @!p0 $0x0  }
0x72: {  	[sflag:s0] =	ssyncadd.s32 @!p0 s1  }
0x73: {  	[bflag:$0x3] =	sbarrier.arrive $0xFFFF  }
0x74: {  	_ =	shalt  }

</sc_bundles>
